<compile_context>
chip_gen: v7x
topology: tpu7x:2x2x1
jax: 0.10.2.dev20260603
libtpu: 0.0.44.dev20260713+nightly
codegen_flags: <defaults>
</compile_context>

<pallas_src>
import functools

import jax
import jax.numpy as jnp
from jax import lax
from jax.experimental import pallas as pl
from jax.experimental.pallas import tpu as pltpu
from jax.experimental.pallas import tpu_sc as plsc

_MAX_LEN = 8192
_HIDDEN = 128

_INFO = plsc.get_sparse_core_info()
_NC = _INFO.num_cores
_ROWS_PER_C = _MAX_LEN // _NC


def _make_copy():
    mesh = plsc.ScalarSubcoreMesh(axis_name="c", num_cores=_NC)
    n_chunks = 8
    chunk = _ROWS_PER_C // n_chunks

    @functools.partial(
        pl.kernel,
        mesh=mesh,
        out_type=jax.ShapeDtypeStruct((_MAX_LEN, _HIDDEN), jnp.float32),
        scratch_types=(
            [pltpu.VMEM_SHARED((_ROWS_PER_C, _HIDDEN), jnp.float32)]
            + [pltpu.SemaphoreType.DMA] * (2 * n_chunks)
        ),
    )
    def k(table_hbm, out_hbm, buf, *sems):
        rsems, wsems = sems[:n_chunks], sems[n_chunks:]
        base = lax.axis_index("c") * _ROWS_PER_C
        reads = []
        for i in range(n_chunks):
            reads.append(pltpu.async_copy(
                table_hbm.at[pl.ds(base + i * chunk, chunk)],
                buf.at[pl.ds(i * chunk, chunk)], rsems[i]))
        writes = []
        for i in range(n_chunks):
            reads[i].wait()
            writes.append(pltpu.async_copy(
                buf.at[pl.ds(i * chunk, chunk)],
                out_hbm.at[pl.ds(base + i * chunk, chunk)], wsems[i]))
        for w in writes:
            w.wait()

    return k


_copy = _make_copy()


def kernel(x, emb_table):
    seq_len = x.shape[1]
    out = _copy(emb_table)
    return out[None, :seq_len]

# --- scband reference (transcript-rebuilt; emitter-appended) ---
"""Pipeline reference for scband-pos-embedding-18210661335114 (READ-ONLY COPY).

The authoritative reference and input builder live on the scoring server;
editing this copy changes nothing except your own understanding.
"""

import jax, jax.numpy as jnp
import numpy as np

MAX_LEN = 8192
HIDDEN_DIM = 128


def setup_inputs(seed: int = 0) -> dict:
    key = jax.random.key(seed)
    k_x, k_emb = jax.random.split(key)
    x = jax.random.normal(k_x, (4, 8192, 128), dtype=jnp.float32)
    emb_table = jax.random.normal(k_emb, (MAX_LEN, HIDDEN_DIM), dtype=jnp.float32) * 0.02
    return {"x": x, "emb_table": emb_table}


def reference(x, emb_table):
    # pos = arange(max_len); emb_layer(pos.unsqueeze(0))[:, :x.size(1)]
    pos = jnp.arange(MAX_LEN)
    emb = jnp.take(emb_table, pos, axis=0)  # [max_len, hidden_dim]
    emb = emb[None, :, :]                    # [1, max_len, hidden_dim]
    return emb[:, :x.shape[1]]               # [1, seq_len, hidden_dim]

if __name__ == "__main__":
    import jax
    _d = setup_inputs()
    print(jax.jit(kernel)(*tuple(_d.values())))

</pallas_src>

<mosaic_0001>
#map = affine_map<(d0) -> (0, 0)>
module attributes {stable_mosaic.version = 14 : i64} {
  func.func @k(%arg0: i32, %arg1: memref<8192x128xf32, #tpu.memory_space<hbm>>, %arg2: memref<8192x128xf32, #tpu.memory_space<hbm>>, %arg3: memref<4096x128xf32, #tpu.memory_space<vmem_shared>>, %arg4: memref<!tpu.dma_semaphore, #tpu.memory_space<semaphore_mem>>, %arg5: memref<!tpu.dma_semaphore, #tpu.memory_space<semaphore_mem>>, %arg6: memref<!tpu.dma_semaphore, #tpu.memory_space<semaphore_mem>>, %arg7: memref<!tpu.dma_semaphore, #tpu.memory_space<semaphore_mem>>, %arg8: memref<!tpu.dma_semaphore, #tpu.memory_space<semaphore_mem>>, %arg9: memref<!tpu.dma_semaphore, #tpu.memory_space<semaphore_mem>>, %arg10: memref<!tpu.dma_semaphore, #tpu.memory_space<semaphore_mem>>, %arg11: memref<!tpu.dma_semaphore, #tpu.memory_space<semaphore_mem>>, %arg12: memref<!tpu.dma_semaphore, #tpu.memory_space<semaphore_mem>>, %arg13: memref<!tpu.dma_semaphore, #tpu.memory_space<semaphore_mem>>, %arg14: memref<!tpu.dma_semaphore, #tpu.memory_space<semaphore_mem>>, %arg15: memref<!tpu.dma_semaphore, #tpu.memory_space<semaphore_mem>>, %arg16: memref<!tpu.dma_semaphore, #tpu.memory_space<semaphore_mem>>, %arg17: memref<!tpu.dma_semaphore, #tpu.memory_space<semaphore_mem>>, %arg18: memref<!tpu.dma_semaphore, #tpu.memory_space<semaphore_mem>>, %arg19: memref<!tpu.dma_semaphore, #tpu.memory_space<semaphore_mem>>) attributes {dimension_semantics = [#tpu.dimension_semantics<core_parallel>], iteration_bounds = array<i64: 2>, scalar_prefetch = 0 : i64, scratch_operands = 17 : i64, tpu.core_type = #tpu.core_type<sc_scalar_subcore>, window_params = [{transform_indices = #map}, {transform_indices = #map}]} {
    %mul3A = arith.constant 4096 : i32
    %mul3A_0 = arith.muli %arg0, %mul3A : i32
    %add3A = arith.constant 0 : i32
    %add3A_1 = arith.addi %mul3A_0, %add3A : i32
    %dma_start3A = arith.constant 0 : i32
    %dma_start3A_2 = arith.constant 0 : i32
    %dma_start3A_3 = tpu.memref_slice %arg3[%dma_start3A, %dma_start3A_2] : memref<4096x128xf32, #tpu.memory_space<vmem_shared>> -> memref<512x128xf32, #tpu.memory_space<vmem_shared>>
    %dma_start3A_4 = arith.constant 0 : i32
    %dma_start3A_5 = tpu.memref_slice %arg1[%add3A_1, %dma_start3A_4] : memref<8192x128xf32, #tpu.memory_space<hbm>> -> memref<512x128xf32, #tpu.memory_space<hbm>>
    tpu.enqueue_dma source(%dma_start3A_5 : memref<512x128xf32, #tpu.memory_space<hbm>>) target(%dma_start3A_3 : memref<512x128xf32, #tpu.memory_space<vmem_shared>>) target_semaphore(%arg4 : memref<!tpu.dma_semaphore, #tpu.memory_space<semaphore_mem>>)
    %add3A_6 = arith.constant 512 : i32
    %add3A_7 = arith.addi %mul3A_0, %add3A_6 : i32
    %dma_start3A_8 = arith.constant 512 : i32
    %dma_start3A_9 = arith.constant 0 : i32
    %dma_start3A_10 = tpu.memref_slice %arg3[%dma_start3A_8, %dma_start3A_9] : memref<4096x128xf32, #tpu.memory_space<vmem_shared>> -> memref<512x128xf32, #tpu.memory_space<vmem_shared>>
    %dma_start3A_11 = arith.constant 0 : i32
    %dma_start3A_12 = tpu.memref_slice %arg1[%add3A_7, %dma_start3A_11] : memref<8192x128xf32, #tpu.memory_space<hbm>> -> memref<512x128xf32, #tpu.memory_space<hbm>>
    tpu.enqueue_dma source(%dma_start3A_12 : memref<512x128xf32, #tpu.memory_space<hbm>>) target(%dma_start3A_10 : memref<512x128xf32, #tpu.memory_space<vmem_shared>>) target_semaphore(%arg5 : memref<!tpu.dma_semaphore, #tpu.memory_space<semaphore_mem>>)
    %add3A_13 = arith.constant 1024 : i32
    %add3A_14 = arith.addi %mul3A_0, %add3A_13 : i32
    %dma_start3A_15 = arith.constant 1024 : i32
    %dma_start3A_16 = arith.constant 0 : i32
    %dma_start3A_17 = tpu.memref_slice %arg3[%dma_start3A_15, %dma_start3A_16] : memref<4096x128xf32, #tpu.memory_space<vmem_shared>> -> memref<512x128xf32, #tpu.memory_space<vmem_shared>>
    %dma_start3A_18 = arith.constant 0 : i32
    %dma_start3A_19 = tpu.memref_slice %arg1[%add3A_14, %dma_start3A_18] : memref<8192x128xf32, #tpu.memory_space<hbm>> -> memref<512x128xf32, #tpu.memory_space<hbm>>
    tpu.enqueue_dma source(%dma_start3A_19 : memref<512x128xf32, #tpu.memory_space<hbm>>) target(%dma_start3A_17 : memref<512x128xf32, #tpu.memory_space<vmem_shared>>) target_semaphore(%arg6 : memref<!tpu.dma_semaphore, #tpu.memory_space<semaphore_mem>>)
    %add3A_20 = arith.constant 1536 : i32
    %add3A_21 = arith.addi %mul3A_0, %add3A_20 : i32
    %dma_start3A_22 = arith.constant 1536 : i32
    %dma_start3A_23 = arith.constant 0 : i32
    %dma_start3A_24 = tpu.memref_slice %arg3[%dma_start3A_22, %dma_start3A_23] : memref<4096x128xf32, #tpu.memory_space<vmem_shared>> -> memref<512x128xf32, #tpu.memory_space<vmem_shared>>
    %dma_start3A_25 = arith.constant 0 : i32
    %dma_start3A_26 = tpu.memref_slice %arg1[%add3A_21, %dma_start3A_25] : memref<8192x128xf32, #tpu.memory_space<hbm>> -> memref<512x128xf32, #tpu.memory_space<hbm>>
    tpu.enqueue_dma source(%dma_start3A_26 : memref<512x128xf32, #tpu.memory_space<hbm>>) target(%dma_start3A_24 : memref<512x128xf32, #tpu.memory_space<vmem_shared>>) target_semaphore(%arg7 : memref<!tpu.dma_semaphore, #tpu.memory_space<semaphore_mem>>)
    %add3A_27 = arith.constant 2048 : i32
    %add3A_28 = arith.addi %mul3A_0, %add3A_27 : i32
    %dma_start3A_29 = arith.constant 2048 : i32
    %dma_start3A_30 = arith.constant 0 : i32
    %dma_start3A_31 = tpu.memref_slice %arg3[%dma_start3A_29, %dma_start3A_30] : memref<4096x128xf32, #tpu.memory_space<vmem_shared>> -> memref<512x128xf32, #tpu.memory_space<vmem_shared>>
    %dma_start3A_32 = arith.constant 0 : i32
    %dma_start3A_33 = tpu.memref_slice %arg1[%add3A_28, %dma_start3A_32] : memref<8192x128xf32, #tpu.memory_space<hbm>> -> memref<512x128xf32, #tpu.memory_space<hbm>>
    tpu.enqueue_dma source(%dma_start3A_33 : memref<512x128xf32, #tpu.memory_space<hbm>>) target(%dma_start3A_31 : memref<512x128xf32, #tpu.memory_space<vmem_shared>>) target_semaphore(%arg8 : memref<!tpu.dma_semaphore, #tpu.memory_space<semaphore_mem>>)
    %add3A_34 = arith.constant 2560 : i32
    %add3A_35 = arith.addi %mul3A_0, %add3A_34 : i32
    %dma_start3A_36 = arith.constant 2560 : i32
    %dma_start3A_37 = arith.constant 0 : i32
    %dma_start3A_38 = tpu.memref_slice %arg3[%dma_start3A_36, %dma_start3A_37] : memref<4096x128xf32, #tpu.memory_space<vmem_shared>> -> memref<512x128xf32, #tpu.memory_space<vmem_shared>>
    %dma_start3A_39 = arith.constant 0 : i32
    %dma_start3A_40 = tpu.memref_slice %arg1[%add3A_35, %dma_start3A_39] : memref<8192x128xf32, #tpu.memory_space<hbm>> -> memref<512x128xf32, #tpu.memory_space<hbm>>
    tpu.enqueue_dma source(%dma_start3A_40 : memref<512x128xf32, #tpu.memory_space<hbm>>) target(%dma_start3A_38 : memref<512x128xf32, #tpu.memory_space<vmem_shared>>) target_semaphore(%arg9 : memref<!tpu.dma_semaphore, #tpu.memory_space<semaphore_mem>>)
    %add3A_41 = arith.constant 3072 : i32
    %add3A_42 = arith.addi %mul3A_0, %add3A_41 : i32
    %dma_start3A_43 = arith.constant 3072 : i32
    %dma_start3A_44 = arith.constant 0 : i32
    %dma_start3A_45 = tpu.memref_slice %arg3[%dma_start3A_43, %dma_start3A_44] : memref<4096x128xf32, #tpu.memory_space<vmem_shared>> -> memref<512x128xf32, #tpu.memory_space<vmem_shared>>
    %dma_start3A_46 = arith.constant 0 : i32
    %dma_start3A_47 = tpu.memref_slice %arg1[%add3A_42, %dma_start3A_46] : memref<8192x128xf32, #tpu.memory_space<hbm>> -> memref<512x128xf32, #tpu.memory_space<hbm>>
    tpu.enqueue_dma source(%dma_start3A_47 : memref<512x128xf32, #tpu.memory_space<hbm>>) target(%dma_start3A_45 : memref<512x128xf32, #tpu.memory_space<vmem_shared>>) target_semaphore(%arg10 : memref<!tpu.dma_semaphore, #tpu.memory_space<semaphore_mem>>)
    %add3A_48 = arith.constant 3584 : i32
    %add3A_49 = arith.addi %mul3A_0, %add3A_48 : i32
    %dma_start3A_50 = arith.constant 3584 : i32
    %dma_start3A_51 = arith.constant 0 : i32
    %dma_start3A_52 = tpu.memref_slice %arg3[%dma_start3A_50, %dma_start3A_51] : memref<4096x128xf32, #tpu.memory_space<vmem_shared>> -> memref<512x128xf32, #tpu.memory_space<vmem_shared>>
    %dma_start3A_53 = arith.constant 0 : i32
    %dma_start3A_54 = tpu.memref_slice %arg1[%add3A_49, %dma_start3A_53] : memref<8192x128xf32, #tpu.memory_space<hbm>> -> memref<512x128xf32, #tpu.memory_space<hbm>>
    tpu.enqueue_dma source(%dma_start3A_54 : memref<512x128xf32, #tpu.memory_space<hbm>>) target(%dma_start3A_52 : memref<512x128xf32, #tpu.memory_space<vmem_shared>>) target_semaphore(%arg11 : memref<!tpu.dma_semaphore, #tpu.memory_space<semaphore_mem>>)
    %dma_wait3A = arith.constant 0 : i32
    %dma_wait3A_55 = arith.constant 0 : i32
    %dma_wait3A_56 = tpu.memref_slice %arg3[%dma_wait3A, %dma_wait3A_55] : memref<4096x128xf32, #tpu.memory_space<vmem_shared>> -> memref<512x128xf32, #tpu.memory_space<vmem_shared>>
    %dma_wait3A_57 = arith.constant 0 : i32
    %dma_wait3A_58 = tpu.memref_slice %arg1[%add3A_1, %dma_wait3A_57] : memref<8192x128xf32, #tpu.memory_space<hbm>> -> memref<512x128xf32, #tpu.memory_space<hbm>>
    tpu.wait_dma2 semaphore(%arg4 : memref<!tpu.dma_semaphore, #tpu.memory_space<semaphore_mem>>) src(%dma_wait3A_58 : memref<512x128xf32, #tpu.memory_space<hbm>>) dst(%dma_wait3A_56 : memref<512x128xf32, #tpu.memory_space<vmem_shared>>)
    %add3A_59 = arith.constant 0 : i32
    %add3A_60 = arith.addi %mul3A_0, %add3A_59 : i32
    %dma_start3A_61 = arith.constant 0 : i32
    %dma_start3A_62 = tpu.memref_slice %arg2[%add3A_60, %dma_start3A_61] : memref<8192x128xf32, #tpu.memory_space<hbm>> -> memref<512x128xf32, #tpu.memory_space<hbm>>
    %dma_start3A_63 = arith.constant 0 : i32
    %dma_start3A_64 = arith.constant 0 : i32
    %dma_start3A_65 = tpu.memref_slice %arg3[%dma_start3A_63, %dma_start3A_64] : memref<4096x128xf32, #tpu.memory_space<vmem_shared>> -> memref<512x128xf32, #tpu.memory_space<vmem_shared>>
    tpu.enqueue_dma source(%dma_start3A_65 : memref<512x128xf32, #tpu.memory_space<vmem_shared>>) target(%dma_start3A_62 : memref<512x128xf32, #tpu.memory_space<hbm>>) target_semaphore(%arg12 : memref<!tpu.dma_semaphore, #tpu.memory_space<semaphore_mem>>)
    %dma_wait3A_66 = arith.constant 512 : i32
    %dma_wait3A_67 = arith.constant 0 : i32
    %dma_wait3A_68 = tpu.memref_slice %arg3[%dma_wait3A_66, %dma_wait3A_67] : memref<4096x128xf32, #tpu.memory_space<vmem_shared>> -> memref<512x128xf32, #tpu.memory_space<vmem_shared>>
    %dma_wait3A_69 = arith.constant 0 : i32
    %dma_wait3A_70 = tpu.memref_slice %arg1[%add3A_7, %dma_wait3A_69] : memref<8192x128xf32, #tpu.memory_space<hbm>> -> memref<512x128xf32, #tpu.memory_space<hbm>>
    tpu.wait_dma2 semaphore(%arg5 : memref<!tpu.dma_semaphore, #tpu.memory_space<semaphore_mem>>) src(%dma_wait3A_70 : memref<512x128xf32, #tpu.memory_space<hbm>>) dst(%dma_wait3A_68 : memref<512x128xf32, #tpu.memory_space<vmem_shared>>)
    %add3A_71 = arith.constant 512 : i32
    %add3A_72 = arith.addi %mul3A_0, %add3A_71 : i32
    %dma_start3A_73 = arith.constant 0 : i32
    %dma_start3A_74 = tpu.memref_slice %arg2[%add3A_72, %dma_start3A_73] : memref<8192x128xf32, #tpu.memory_space<hbm>> -> memref<512x128xf32, #tpu.memory_space<hbm>>
    %dma_start3A_75 = arith.constant 512 : i32
    %dma_start3A_76 = arith.constant 0 : i32
    %dma_start3A_77 = tpu.memref_slice %arg3[%dma_start3A_75, %dma_start3A_76] : memref<4096x128xf32, #tpu.memory_space<vmem_shared>> -> memref<512x128xf32, #tpu.memory_space<vmem_shared>>
    tpu.enqueue_dma source(%dma_start3A_77 : memref<512x128xf32, #tpu.memory_space<vmem_shared>>) target(%dma_start3A_74 : memref<512x128xf32, #tpu.memory_space<hbm>>) target_semaphore(%arg13 : memref<!tpu.dma_semaphore, #tpu.memory_space<semaphore_mem>>)
    %dma_wait3A_78 = arith.constant 1024 : i32
    %dma_wait3A_79 = arith.constant 0 : i32
    %dma_wait3A_80 = tpu.memref_slice %arg3[%dma_wait3A_78, %dma_wait3A_79] : memref<4096x128xf32, #tpu.memory_space<vmem_shared>> -> memref<512x128xf32, #tpu.memory_space<vmem_shared>>
    %dma_wait3A_81 = arith.constant 0 : i32
    %dma_wait3A_82 = tpu.memref_slice %arg1[%add3A_14, %dma_wait3A_81] : memref<8192x128xf32, #tpu.memory_space<hbm>> -> memref<512x128xf32, #tpu.memory_space<hbm>>
    tpu.wait_dma2 semaphore(%arg6 : memref<!tpu.dma_semaphore, #tpu.memory_space<semaphore_mem>>) src(%dma_wait3A_82 : memref<512x128xf32, #tpu.memory_space<hbm>>) dst(%dma_wait3A_80 : memref<512x128xf32, #tpu.memory_space<vmem_shared>>)
    %add3A_83 = arith.constant 1024 : i32
    %add3A_84 = arith.addi %mul3A_0, %add3A_83 : i32
    %dma_start3A_85 = arith.constant 0 : i32
    %dma_start3A_86 = tpu.memref_slice %arg2[%add3A_84, %dma_start3A_85] : memref<8192x128xf32, #tpu.memory_space<hbm>> -> memref<512x128xf32, #tpu.memory_space<hbm>>
    %dma_start3A_87 = arith.constant 1024 : i32
    %dma_start3A_88 = arith.constant 0 : i32
    %dma_start3A_89 = tpu.memref_slice %arg3[%dma_start3A_87, %dma_start3A_88] : memref<4096x128xf32, #tpu.memory_space<vmem_shared>> -> memref<512x128xf32, #tpu.memory_space<vmem_shared>>
    tpu.enqueue_dma source(%dma_start3A_89 : memref<512x128xf32, #tpu.memory_space<vmem_shared>>) target(%dma_start3A_86 : memref<512x128xf32, #tpu.memory_space<hbm>>) target_semaphore(%arg14 : memref<!tpu.dma_semaphore, #tpu.memory_space<semaphore_mem>>)
    %dma_wait3A_90 = arith.constant 1536 : i32
    %dma_wait3A_91 = arith.constant 0 : i32
    %dma_wait3A_92 = tpu.memref_slice %arg3[%dma_wait3A_90, %dma_wait3A_91] : memref<4096x128xf32, #tpu.memory_space<vmem_shared>> -> memref<512x128xf32, #tpu.memory_space<vmem_shared>>
    %dma_wait3A_93 = arith.constant 0 : i32
    %dma_wait3A_94 = tpu.memref_slice %arg1[%add3A_21, %dma_wait3A_93] : memref<8192x128xf32, #tpu.memory_space<hbm>> -> memref<512x128xf32, #tpu.memory_space<hbm>>
    tpu.wait_dma2 semaphore(%arg7 : memref<!tpu.dma_semaphore, #tpu.memory_space<semaphore_mem>>) src(%dma_wait3A_94 : memref<512x128xf32, #tpu.memory_space<hbm>>) dst(%dma_wait3A_92 : memref<512x128xf32, #tpu.memory_space<vmem_shared>>)
    %add3A_95 = arith.constant 1536 : i32
    %add3A_96 = arith.addi %mul3A_0, %add3A_95 : i32
    %dma_start3A_97 = arith.constant 0 : i32
    %dma_start3A_98 = tpu.memref_slice %arg2[%add3A_96, %dma_start3A_97] : memref<8192x128xf32, #tpu.memory_space<hbm>> -> memref<512x128xf32, #tpu.memory_space<hbm>>
    %dma_start3A_99 = arith.constant 1536 : i32
    %dma_start3A_100 = arith.constant 0 : i32
    %dma_start3A_101 = tpu.memref_slice %arg3[%dma_start3A_99, %dma_start3A_100] : memref<4096x128xf32, #tpu.memory_space<vmem_shared>> -> memref<512x128xf32, #tpu.memory_space<vmem_shared>>
    tpu.enqueue_dma source(%dma_start3A_101 : memref<512x128xf32, #tpu.memory_space<vmem_shared>>) target(%dma_start3A_98 : memref<512x128xf32, #tpu.memory_space<hbm>>) target_semaphore(%arg15 : memref<!tpu.dma_semaphore, #tpu.memory_space<semaphore_mem>>)
    %dma_wait3A_102 = arith.constant 2048 : i32
    %dma_wait3A_103 = arith.constant 0 : i32
    %dma_wait3A_104 = tpu.memref_slice %arg3[%dma_wait3A_102, %dma_wait3A_103] : memref<4096x128xf32, #tpu.memory_space<vmem_shared>> -> memref<512x128xf32, #tpu.memory_space<vmem_shared>>
    %dma_wait3A_105 = arith.constant 0 : i32
    %dma_wait3A_106 = tpu.memref_slice %arg1[%add3A_28, %dma_wait3A_105] : memref<8192x128xf32, #tpu.memory_space<hbm>> -> memref<512x128xf32, #tpu.memory_space<hbm>>
    tpu.wait_dma2 semaphore(%arg8 : memref<!tpu.dma_semaphore, #tpu.memory_space<semaphore_mem>>) src(%dma_wait3A_106 : memref<512x128xf32, #tpu.memory_space<hbm>>) dst(%dma_wait3A_104 : memref<512x128xf32, #tpu.memory_space<vmem_shared>>)
    %add3A_107 = arith.constant 2048 : i32
    %add3A_108 = arith.addi %mul3A_0, %add3A_107 : i32
    %dma_start3A_109 = arith.constant 0 : i32
    %dma_start3A_110 = tpu.memref_slice %arg2[%add3A_108, %dma_start3A_109] : memref<8192x128xf32, #tpu.memory_space<hbm>> -> memref<512x128xf32, #tpu.memory_space<hbm>>
    %dma_start3A_111 = arith.constant 2048 : i32
    %dma_start3A_112 = arith.constant 0 : i32
    %dma_start3A_113 = tpu.memref_slice %arg3[%dma_start3A_111, %dma_start3A_112] : memref<4096x128xf32, #tpu.memory_space<vmem_shared>> -> memref<512x128xf32, #tpu.memory_space<vmem_shared>>
    tpu.enqueue_dma source(%dma_start3A_113 : memref<512x128xf32, #tpu.memory_space<vmem_shared>>) target(%dma_start3A_110 : memref<512x128xf32, #tpu.memory_space<hbm>>) target_semaphore(%arg16 : memref<!tpu.dma_semaphore, #tpu.memory_space<semaphore_mem>>)
    %dma_wait3A_114 = arith.constant 2560 : i32
    %dma_wait3A_115 = arith.constant 0 : i32
    %dma_wait3A_116 = tpu.memref_slice %arg3[%dma_wait3A_114, %dma_wait3A_115] : memref<4096x128xf32, #tpu.memory_space<vmem_shared>> -> memref<512x128xf32, #tpu.memory_space<vmem_shared>>
    %dma_wait3A_117 = arith.constant 0 : i32
    %dma_wait3A_118 = tpu.memref_slice %arg1[%add3A_35, %dma_wait3A_117] : memref<8192x128xf32, #tpu.memory_space<hbm>> -> memref<512x128xf32, #tpu.memory_space<hbm>>
    tpu.wait_dma2 semaphore(%arg9 : memref<!tpu.dma_semaphore, #tpu.memory_space<semaphore_mem>>) src(%dma_wait3A_118 : memref<512x128xf32, #tpu.memory_space<hbm>>) dst(%dma_wait3A_116 : memref<512x128xf32, #tpu.memory_space<vmem_shared>>)
    %add3A_119 = arith.constant 2560 : i32
    %add3A_120 = arith.addi %mul3A_0, %add3A_119 : i32
    %dma_start3A_121 = arith.constant 0 : i32
    %dma_start3A_122 = tpu.memref_slice %arg2[%add3A_120, %dma_start3A_121] : memref<8192x128xf32, #tpu.memory_space<hbm>> -> memref<512x128xf32, #tpu.memory_space<hbm>>
    %dma_start3A_123 = arith.constant 2560 : i32
    %dma_start3A_124 = arith.constant 0 : i32
    %dma_start3A_125 = tpu.memref_slice %arg3[%dma_start3A_123, %dma_start3A_124] : memref<4096x128xf32, #tpu.memory_space<vmem_shared>> -> memref<512x128xf32, #tpu.memory_space<vmem_shared>>
    tpu.enqueue_dma source(%dma_start3A_125 : memref<512x128xf32, #tpu.memory_space<vmem_shared>>) target(%dma_start3A_122 : memref<512x128xf32, #tpu.memory_space<hbm>>) target_semaphore(%arg17 : memref<!tpu.dma_semaphore, #tpu.memory_space<semaphore_mem>>)
    %dma_wait3A_126 = arith.constant 3072 : i32
    %dma_wait3A_127 = arith.constant 0 : i32
    %dma_wait3A_128 = tpu.memref_slice %arg3[%dma_wait3A_126, %dma_wait3A_127] : memref<4096x128xf32, #tpu.memory_space<vmem_shared>> -> memref<512x128xf32, #tpu.memory_space<vmem_shared>>
    %dma_wait3A_129 = arith.constant 0 : i32
    %dma_wait3A_130 = tpu.memref_slice %arg1[%add3A_42, %dma_wait3A_129] : memref<8192x128xf32, #tpu.memory_space<hbm>> -> memref<512x128xf32, #tpu.memory_space<hbm>>
    tpu.wait_dma2 semaphore(%arg10 : memref<!tpu.dma_semaphore, #tpu.memory_space<semaphore_mem>>) src(%dma_wait3A_130 : memref<512x128xf32, #tpu.memory_space<hbm>>) dst(%dma_wait3A_128 : memref<512x128xf32, #tpu.memory_space<vmem_shared>>)
    %add3A_131 = arith.constant 3072 : i32
    %add3A_132 = arith.addi %mul3A_0, %add3A_131 : i32
    %dma_start3A_133 = arith.constant 0 : i32
    %dma_start3A_134 = tpu.memref_slice %arg2[%add3A_132, %dma_start3A_133] : memref<8192x128xf32, #tpu.memory_space<hbm>> -> memref<512x128xf32, #tpu.memory_space<hbm>>
    %dma_start3A_135 = arith.constant 3072 : i32
    %dma_start3A_136 = arith.constant 0 : i32
    %dma_start3A_137 = tpu.memref_slice %arg3[%dma_start3A_135, %dma_start3A_136] : memref<4096x128xf32, #tpu.memory_space<vmem_shared>> -> memref<512x128xf32, #tpu.memory_space<vmem_shared>>
    tpu.enqueue_dma source(%dma_start3A_137 : memref<512x128xf32, #tpu.memory_space<vmem_shared>>) target(%dma_start3A_134 : memref<512x128xf32, #tpu.memory_space<hbm>>) target_semaphore(%arg18 : memref<!tpu.dma_semaphore, #tpu.memory_space<semaphore_mem>>)
    %dma_wait3A_138 = arith.constant 3584 : i32
    %dma_wait3A_139 = arith.constant 0 : i32
    %dma_wait3A_140 = tpu.memref_slice %arg3[%dma_wait3A_138, %dma_wait3A_139] : memref<4096x128xf32, #tpu.memory_space<vmem_shared>> -> memref<512x128xf32, #tpu.memory_space<vmem_shared>>
    %dma_wait3A_141 = arith.constant 0 : i32
    %dma_wait3A_142 = tpu.memref_slice %arg1[%add3A_49, %dma_wait3A_141] : memref<8192x128xf32, #tpu.memory_space<hbm>> -> memref<512x128xf32, #tpu.memory_space<hbm>>
    tpu.wait_dma2 semaphore(%arg11 : memref<!tpu.dma_semaphore, #tpu.memory_space<semaphore_mem>>) src(%dma_wait3A_142 : memref<512x128xf32, #tpu.memory_space<hbm>>) dst(%dma_wait3A_140 : memref<512x128xf32, #tpu.memory_space<vmem_shared>>)
    %add3A_143 = arith.constant 3584 : i32
    %add3A_144 = arith.addi %mul3A_0, %add3A_143 : i32
    %dma_start3A_145 = arith.constant 0 : i32
    %dma_start3A_146 = tpu.memref_slice %arg2[%add3A_144, %dma_start3A_145] : memref<8192x128xf32, #tpu.memory_space<hbm>> -> memref<512x128xf32, #tpu.memory_space<hbm>>
    %dma_start3A_147 = arith.constant 3584 : i32
    %dma_start3A_148 = arith.constant 0 : i32
    %dma_start3A_149 = tpu.memref_slice %arg3[%dma_start3A_147, %dma_start3A_148] : memref<4096x128xf32, #tpu.memory_space<vmem_shared>> -> memref<512x128xf32, #tpu.memory_space<vmem_shared>>
    tpu.enqueue_dma source(%dma_start3A_149 : memref<512x128xf32, #tpu.memory_space<vmem_shared>>) target(%dma_start3A_146 : memref<512x128xf32, #tpu.memory_space<hbm>>) target_semaphore(%arg19 : memref<!tpu.dma_semaphore, #tpu.memory_space<semaphore_mem>>)
    %dma_wait3A_150 = arith.constant 0 : i32
    %dma_wait3A_151 = tpu.memref_slice %arg2[%add3A_60, %dma_wait3A_150] : memref<8192x128xf32, #tpu.memory_space<hbm>> -> memref<512x128xf32, #tpu.memory_space<hbm>>
    %dma_wait3A_152 = arith.constant 0 : i32
    %dma_wait3A_153 = arith.constant 0 : i32
    %dma_wait3A_154 = tpu.memref_slice %arg3[%dma_wait3A_152, %dma_wait3A_153] : memref<4096x128xf32, #tpu.memory_space<vmem_shared>> -> memref<512x128xf32, #tpu.memory_space<vmem_shared>>
    tpu.wait_dma2 semaphore(%arg12 : memref<!tpu.dma_semaphore, #tpu.memory_space<semaphore_mem>>) src(%dma_wait3A_154 : memref<512x128xf32, #tpu.memory_space<vmem_shared>>) dst(%dma_wait3A_151 : memref<512x128xf32, #tpu.memory_space<hbm>>)
    %dma_wait3A_155 = arith.constant 0 : i32
    %dma_wait3A_156 = tpu.memref_slice %arg2[%add3A_72, %dma_wait3A_155] : memref<8192x128xf32, #tpu.memory_space<hbm>> -> memref<512x128xf32, #tpu.memory_space<hbm>>
    %dma_wait3A_157 = arith.constant 512 : i32
    %dma_wait3A_158 = arith.constant 0 : i32
    %dma_wait3A_159 = tpu.memref_slice %arg3[%dma_wait3A_157, %dma_wait3A_158] : memref<4096x128xf32, #tpu.memory_space<vmem_shared>> -> memref<512x128xf32, #tpu.memory_space<vmem_shared>>
    tpu.wait_dma2 semaphore(%arg13 : memref<!tpu.dma_semaphore, #tpu.memory_space<semaphore_mem>>) src(%dma_wait3A_159 : memref<512x128xf32, #tpu.memory_space<vmem_shared>>) dst(%dma_wait3A_156 : memref<512x128xf32, #tpu.memory_space<hbm>>)
    %dma_wait3A_160 = arith.constant 0 : i32
    %dma_wait3A_161 = tpu.memref_slice %arg2[%add3A_84, %dma_wait3A_160] : memref<8192x128xf32, #tpu.memory_space<hbm>> -> memref<512x128xf32, #tpu.memory_space<hbm>>
    %dma_wait3A_162 = arith.constant 1024 : i32
    %dma_wait3A_163 = arith.constant 0 : i32
    %dma_wait3A_164 = tpu.memref_slice %arg3[%dma_wait3A_162, %dma_wait3A_163] : memref<4096x128xf32, #tpu.memory_space<vmem_shared>> -> memref<512x128xf32, #tpu.memory_space<vmem_shared>>
    tpu.wait_dma2 semaphore(%arg14 : memref<!tpu.dma_semaphore, #tpu.memory_space<semaphore_mem>>) src(%dma_wait3A_164 : memref<512x128xf32, #tpu.memory_space<vmem_shared>>) dst(%dma_wait3A_161 : memref<512x128xf32, #tpu.memory_space<hbm>>)
    %dma_wait3A_165 = arith.constant 0 : i32
    %dma_wait3A_166 = tpu.memref_slice %arg2[%add3A_96, %dma_wait3A_165] : memref<8192x128xf32, #tpu.memory_space<hbm>> -> memref<512x128xf32, #tpu.memory_space<hbm>>
    %dma_wait3A_167 = arith.constant 1536 : i32
    %dma_wait3A_168 = arith.constant 0 : i32
    %dma_wait3A_169 = tpu.memref_slice %arg3[%dma_wait3A_167, %dma_wait3A_168] : memref<4096x128xf32, #tpu.memory_space<vmem_shared>> -> memref<512x128xf32, #tpu.memory_space<vmem_shared>>
    tpu.wait_dma2 semaphore(%arg15 : memref<!tpu.dma_semaphore, #tpu.memory_space<semaphore_mem>>) src(%dma_wait3A_169 : memref<512x128xf32, #tpu.memory_space<vmem_shared>>) dst(%dma_wait3A_166 : memref<512x128xf32, #tpu.memory_space<hbm>>)
    %dma_wait3A_170 = arith.constant 0 : i32
    %dma_wait3A_171 = tpu.memref_slice %arg2[%add3A_108, %dma_wait3A_170] : memref<8192x128xf32, #tpu.memory_space<hbm>> -> memref<512x128xf32, #tpu.memory_space<hbm>>
    %dma_wait3A_172 = arith.constant 2048 : i32
    %dma_wait3A_173 = arith.constant 0 : i32
    %dma_wait3A_174 = tpu.memref_slice %arg3[%dma_wait3A_172, %dma_wait3A_173] : memref<4096x128xf32, #tpu.memory_space<vmem_shared>> -> memref<512x128xf32, #tpu.memory_space<vmem_shared>>
    tpu.wait_dma2 semaphore(%arg16 : memref<!tpu.dma_semaphore, #tpu.memory_space<semaphore_mem>>) src(%dma_wait3A_174 : memref<512x128xf32, #tpu.memory_space<vmem_shared>>) dst(%dma_wait3A_171 : memref<512x128xf32, #tpu.memory_space<hbm>>)
    %dma_wait3A_175 = arith.constant 0 : i32
    %dma_wait3A_176 = tpu.memref_slice %arg2[%add3A_120, %dma_wait3A_175] : memref<8192x128xf32, #tpu.memory_space<hbm>> -> memref<512x128xf32, #tpu.memory_space<hbm>>
    %dma_wait3A_177 = arith.constant 2560 : i32
    %dma_wait3A_178 = arith.constant 0 : i32
    %dma_wait3A_179 = tpu.memref_slice %arg3[%dma_wait3A_177, %dma_wait3A_178] : memref<4096x128xf32, #tpu.memory_space<vmem_shared>> -> memref<512x128xf32, #tpu.memory_space<vmem_shared>>
    tpu.wait_dma2 semaphore(%arg17 : memref<!tpu.dma_semaphore, #tpu.memory_space<semaphore_mem>>) src(%dma_wait3A_179 : memref<512x128xf32, #tpu.memory_space<vmem_shared>>) dst(%dma_wait3A_176 : memref<512x128xf32, #tpu.memory_space<hbm>>)
    %dma_wait3A_180 = arith.constant 0 : i32
    %dma_wait3A_181 = tpu.memref_slice %arg2[%add3A_132, %dma_wait3A_180] : memref<8192x128xf32, #tpu.memory_space<hbm>> -> memref<512x128xf32, #tpu.memory_space<hbm>>
    %dma_wait3A_182 = arith.constant 3072 : i32
    %dma_wait3A_183 = arith.constant 0 : i32
    %dma_wait3A_184 = tpu.memref_slice %arg3[%dma_wait3A_182, %dma_wait3A_183] : memref<4096x128xf32, #tpu.memory_space<vmem_shared>> -> memref<512x128xf32, #tpu.memory_space<vmem_shared>>
    tpu.wait_dma2 semaphore(%arg18 : memref<!tpu.dma_semaphore, #tpu.memory_space<semaphore_mem>>) src(%dma_wait3A_184 : memref<512x128xf32, #tpu.memory_space<vmem_shared>>) dst(%dma_wait3A_181 : memref<512x128xf32, #tpu.memory_space<hbm>>)
    %dma_wait3A_185 = arith.constant 0 : i32
    %dma_wait3A_186 = tpu.memref_slice %arg2[%add3A_144, %dma_wait3A_185] : memref<8192x128xf32, #tpu.memory_space<hbm>> -> memref<512x128xf32, #tpu.memory_space<hbm>>
    %dma_wait3A_187 = arith.constant 3584 : i32
    %dma_wait3A_188 = arith.constant 0 : i32
    %dma_wait3A_189 = tpu.memref_slice %arg3[%dma_wait3A_187, %dma_wait3A_188] : memref<4096x128xf32, #tpu.memory_space<vmem_shared>> -> memref<512x128xf32, #tpu.memory_space<vmem_shared>>
    tpu.wait_dma2 semaphore(%arg19 : memref<!tpu.dma_semaphore, #tpu.memory_space<semaphore_mem>>) src(%dma_wait3A_189 : memref<512x128xf32, #tpu.memory_space<vmem_shared>>) dst(%dma_wait3A_186 : memref<512x128xf32, #tpu.memory_space<hbm>>)
    return
  }
}

</mosaic_0001>

<sc_bundles>
// kernel: kernel.3.cloned.1.call-start
scs
__scs_entry_jumppad:
0x0: {  	(pc) =	sbr.rel $0x88, $3  }
0x1: {  	(tag) =	ssettag $0x0;
	lr =	simm.s32 $0x1  }
0x2: {  	[smem:$0x3FA0] =	sst lr;
	_ =	strace $0xD0000000  }
0x3: {  	_ = 	snop  }
0x4: {  	_ = 	snop  }
0x5: {  	_ = 	snop  }
0x6: {  	_ = 	snop  }
0x7: {  	_ = 	snop  }
__scs_overlays_trampoline_lowered:
0x8: {  	[smem:$0x3FAF] =	sst s0  }
0x9: {  	[smem:$0x3FB0] =	sst s1  }
0xa: {  	[smem:$0x3FB1] =	sst s2  }
0xb: {  	[smem:$0x3FB2] =	sst s3  }
0xc: {  	[smem:$0x3FB3] =	sst s4  }
0xd: {  	[smem:$0x3FB4] =	sst s5  }
0xe: {  	[smem:$0x3FB5] =	sst s6  }
0xf: {  	[smem:$0x3FB6] =	sst s7  }
0x10: {  	[smem:$0x3FB7] =	sst s8  }
0x11: {  	[smem:$0x3FB8] =	sst s9;
	s0 =	simm.s32 @!p0 $0x0  }
0x12: {  	s1 =	sld [smem:$0x3F9E];
	s0 =	simm.s32 @p0 $0x1  }
0x13: {  	[smem:$0x3FB9] =	sst s0;
	s0 =	simm.s32 @!p1 $0x0  }
0x14: {  	s2 =	sld [smem:$0x3F9D];
	s0 =	simm.s32 @p1 $0x1  }
0x15: {  	[smem:$0x3FBA] =	sst s0;
	s0 =	simm.s32 @!p2 $0x0  }
0x16: {  	s3 =	sld [smem:$0x3FDB];
	s0 =	simm.s32 @p2 $0x1  }
0x17: {  	s4 =	simm.s32 $0x1BF5;
	[smem:$0x3FBC] =	sst s0  }
0x18: {  	s0 =	sld [smem:$0x3F9F];
	_ =	swait.ge [sflag:s4], $0x0  }
0x19: {  	s7 =	sld [smem:$0x3FA0]  }
0x1a: {  	s8 =	sadd.s32 $0xFFFFE003, lr  }
0x1b: {  	s9 =	sadd.s32 $0xFFFFFEF7, lr;
	s5 =	simm.s32 $0xFFFFFFFF;
	p2 =	slt.u32 s8, $0xFFFFF086  }
0x1c: {  	p1 =	slt.u32 s9, $0xF7A;
	s5 =	simm.s32 @!p2 $0x0  }
0x1d: {  	s5 =	simm.s32 @p1 $0x1;
	p0 =	seq.s32 s7, s2  }
0x1e: {  	s7 =	smul.u32 @!p0 $0xF7A, s2;
	p2 =	seq.s32 @!p0 s5, $0x0  }
0x1f: {  	s9 =	smul.u32 $0xF7A, s1;
	s8 =	simm.s32 @!p0 $0x1BF5;
	p2 =	por !p2, p0  }
0x20: {  	[sflag:s8] =	ssyncset.s32 @!p0 $0xFFFFF086;
	s6 =	sadd.s32 @!p0 s3, s7;
	s7 =	simm.s32 @!p0 $0x108  }
0x21: {  	s3 =	sadd.s32 s3, s9;
	s6 =	sadd.s32 @!p0 $0x88, s6;
	s7 =	simm.s32 @p2 $0x1082  }
0x22: {  	[simem:s7], [sflag:s8] =	dma.local @!p0 [hbm:s6], $0xF7A  }
0x23: {  	s9 =	sor.u32 $0xD0000000, s2;
	s6 =	simm.s32 $0x108;
	_ =	swait.ge @!p0 [sflag:s8], $0x0  }
0x24: {  	s3 =	sadd.s32 $0x88, s3;
	s6 =	simm.s32 @!p1 $0x1082;
	[sflag:s4] =	ssyncset.s32 $0xFFFFF086  }
0x25: {  	[simem:s6], [sflag:s4] =	dma.local [hbm:s3], $0xF7A  }
0x26: {  	[smem:$0x3FA0] =	sst s1;
	(tag) =	ssettag s2;
	_ =	strace s9  }
0x27: {  	s1 =	sld [smem:$0x3FB0]  }
0x28: {  	s2 =	sld [smem:$0x3FB1]  }
0x29: {  	s4 =	sld [smem:$0x3FB3]  }
0x2a: {  	p0 =	seq.s32 s5, $0x0;
	s5 =	sld [smem:$0x3FB4]  }
0x2b: {  	s6 =	sld [smem:$0x3FB5]  }
0x2c: {  	s7 =	sld [smem:$0x3FB6]  }
0x2d: {  	s3 =	simm.s32 $0x108;
	s8 =	sld [smem:$0x3FB7]  }
0x2e: {  	s3 =	simm.s32 @!p0 $0x1082;
	s9 =	sld [smem:$0x3FB8]  }
0x2f: {  	lr =	sadd.s32 s0, s3;
	s0 =	sld [smem:$0x3FAF]  }
0x30: {  	s3 =	sld [smem:$0x3FB2]  }
0x31: {  	[smem:$0x3FBB] =	sst s10  }
0x32: {  	s10 =	sld [smem:$0x3FB9];
	_ =	sdelay $0x3  }
0x33: {  	p0 =	seq.s32 s10, $0x1;
	s10 =	sld [smem:$0x3FBB];
	_ =	sdelay $0x3  }
0x34: {  	[smem:$0x3FBB] =	sst s10  }
0x35: {  	s10 =	sld [smem:$0x3FBA];
	_ =	sdelay $0x3  }
0x36: {  	p1 =	seq.s32 s10, $0x1;
	s10 =	sld [smem:$0x3FBB];
	_ =	sdelay $0x3  }
0x37: {  	[smem:$0x3FBB] =	sst s10  }
0x38: {  	s10 =	sld [smem:$0x3FBC]  }
0x39: {  	_ = 	snop;
	(pc) =	sbr.ind lr, $3  }
0x3a: {  	_ = 	snop  }
0x3b: {  	_ = 	snop  }
0x3c: {  	p2 =	seq.s32 s10, $0x1;
	s10 =	sld [smem:$0x3FBB]  }
0x3d: {  	_ =	shalt  }
0x3e: {  	_ =	shalt  }
0x3f: {  	_ =	shalt  }
0x40: {  	_ =	shalt  }
0x41: {  	_ =	shalt  }
0x42: {  	_ =	shalt  }
0x43: {  	_ =	shalt  }
0x44: {  	_ =	shalt  }
0x45: {  	_ =	shalt  }
0x46: {  	_ =	shalt  }
0x47: {  	_ =	shalt  }
0x48: {  	_ =	shalt  }
0x49: {  	_ =	shalt  }
0x4a: {  	_ =	shalt  }
0x4b: {  	_ =	shalt  }
0x4c: {  	_ =	shalt  }
0x4d: {  	_ =	shalt  }
0x4e: {  	_ =	shalt  }
0x4f: {  	_ =	shalt  }
0x50: {  	_ =	shalt  }
0x51: {  	_ =	shalt  }
0x52: {  	_ =	shalt  }
0x53: {  	_ =	shalt  }
0x54: {  	_ =	shalt  }
0x55: {  	_ =	shalt  }
0x56: {  	_ =	shalt  }
0x57: {  	_ =	shalt  }
0x58: {  	_ =	shalt  }
0x59: {  	_ =	shalt  }
0x5a: {  	_ =	shalt  }
0x5b: {  	_ =	shalt  }
0x5c: {  	_ =	shalt  }
0x5d: {  	_ =	shalt  }
0x5e: {  	_ =	shalt  }
0x5f: {  	_ =	shalt  }
0x60: {  	_ =	shalt  }
0x61: {  	_ =	shalt  }
0x62: {  	_ =	shalt  }
0x63: {  	_ =	shalt  }
0x64: {  	_ =	shalt  }
0x65: {  	_ =	shalt  }
0x66: {  	_ =	shalt  }
0x67: {  	_ =	shalt  }
0x68: {  	_ =	shalt  }
0x69: {  	_ =	shalt  }
0x6a: {  	_ =	shalt  }
0x6b: {  	_ =	shalt  }
0x6c: {  	_ =	shalt  }
0x6d: {  	_ =	shalt  }
0x6e: {  	_ =	shalt  }
0x6f: {  	_ =	shalt  }
0x70: {  	_ =	shalt  }
0x71: {  	_ =	shalt  }
0x72: {  	_ =	shalt  }
0x73: {  	_ =	shalt  }
0x74: {  	_ =	shalt  }
0x75: {  	_ =	shalt  }
0x76: {  	_ =	shalt  }
0x77: {  	_ =	shalt  }
0x78: {  	_ =	shalt  }
0x79: {  	_ =	shalt  }
0x7a: {  	_ =	shalt  }
0x7b: {  	_ =	shalt  }
0x7c: {  	_ =	shalt  }
0x7d: {  	_ =	shalt  }
0x7e: {  	_ =	shalt  }
0x7f: {  	_ =	shalt  }
0x80: {  	_ =	shalt  }
0x81: {  	_ =	shalt  }
0x82: {  	_ =	shalt  }
0x83: {  	_ =	shalt  }
0x84: {  	_ =	shalt  }
0x85: {  	_ =	shalt  }
0x86: {  	_ =	shalt  }
0x87: {  	_ =	shalt  }
.Lfunc_end0:
.L_simem_size_0:
called_computation_lowered:
.L_overlay_start_0:
0x88: {  	s2 =	sld [smem:$0x3FD9]  }
0x89: {  	s3 =	sld [smem:$0x3FFE];
	_ =	sdelay $0x1  }
0x8a: {  	s1 =	srdreg.scid  }
0x8b: {  	s0 =	sand.u32 $0x1, s1  }
0x8c: {  	s26 =	sshll.u32 s0, $0xA;
	s2 =	sadd.s32 s3, s2  }
0x8d: {  	s2 =	sadd.s32 s2, s26  }
0x8e: {  	s4 =	simm.s32 $0x0;
	[smem:$0x3FC7] =	sst s2  }
0x8f: {  	[smem:$0xF] =	sst s4  }
0x90: {  	s28 =	sld [smem:$0x3FC9]  }
0x91: {  	s2 =	sld [smem:$0x3FD0];
	(tm) =	ssettm $0x1  }
0x92: {  	s5 =	sld [smem:$0x3FFB];
	_ =	sdelay $0x3  }
0x93: {  	_ =	strace s5  }
0x94: {  	s5 =	sld [smem:$0x3FFC];
	_ =	sdelay $0x3  }
0x95: {  	_ =	strace s5  }
0x96: {  	s5 =	sld [smem:$0x3FFD];
	_ =	sdelay $0x3  }
0x97: {  	_ =	strace s5  }
0x98: {  	s29 =	simm.s32 $0x1B8B;
	_ =	strace $0x8FFFFFFF  }
0x99: {  	_ =	swait.ge [sflag:s29], $0x1  }
0x9a: {  	[sflag:s29] =	ssyncset.done $0x0  }
0x9b: {  	s30 =	simm.s32 $0x1B8E;
	[sflag:s29] =	ssyncadd.s32 $0xFFFFFFFF  }
0x9c: {  	s31 =	sshll.u32 s0, $0x10;
	[smem:$0x3FD2] =	sst s30  }
0x9d: {  	s7 =	simm.s32 $0x9;
	s6 =	sadd.s32 s31, s28;
	_ =	strace $0x80000046  }
0x9e: {  	[spmem:s4], [sflag:s7] =	dma.local [hbm:s6], $0x2000  }
0x9f: {  	s6 =	sor.u32 $0x2000, s31  }
0xa0: {  	s9 =	simm.s32 $0xA;
	s10 =	simm.s32 $0x2000;
	s8 =	sadd.s32 s6, s28  }
0xa1: {  	[spmem:s10], [sflag:s9] =	dma.local [hbm:s8], $0x2000  }
0xa2: {  	s8 =	sor.u32 $0x4000, s31  }
0xa3: {  	s12 =	simm.s32 $0xB;
	s13 =	simm.s32 $0x4000;
	s11 =	sadd.s32 s8, s28  }
0xa4: {  	[spmem:s13], [sflag:s12] =	dma.local [hbm:s11], $0x2000  }
0xa5: {  	s11 =	sor.u32 $0x6000, s31  }
0xa6: {  	s15 =	simm.s32 $0xC;
	s16 =	simm.s32 $0x6000;
	s14 =	sadd.s32 s11, s28  }
0xa7: {  	[spmem:s16], [sflag:s15] =	dma.local [hbm:s14], $0x2000  }
0xa8: {  	s14 =	sor.u32 $0x8000, s31  }
0xa9: {  	s18 =	simm.s32 $0xD;
	s19 =	simm.s32 $0x8000;
	s17 =	sadd.s32 s14, s28  }
0xaa: {  	[spmem:s19], [sflag:s18] =	dma.local [hbm:s17], $0x2000  }
0xab: {  	s21 =	simm.s32 $0xE;
	s22 =	simm.s32 $0xA000;
	s17 =	sor.u32 $0xA000, s31  }
0xac: {  	s24 =	simm.s32 $0xF;
	s25 =	simm.s32 $0xC000;
	s20 =	sadd.s32 s17, s28  }
0xad: {  	[spmem:s22], [sflag:s21] =	dma.local [hbm:s20], $0x2000  }
0xae: {  	s26 =	simm.s32 $0x10;
	s29 =	sor.u32 $0xE000, s31;
	s20 =	sor.u32 $0xC000, s31  }
0xaf: {  	s3 =	sadd.s32 s29, s28;
	s23 =	sadd.s32 s20, s28;
	s28 =	simm.s32 $0xE000  }
0xb0: {  	[spmem:s25], [sflag:s24] =	dma.local [hbm:s23], $0x2000  }
0xb1: {  	[spmem:s28], [sflag:s26] =	dma.local [hbm:s3], $0x2000  }
0xb2: {  	_ =	swait.ge [sflag:s7], $0x2000  }
0xb3: {  	[sflag:s7] =	ssyncset.done $0x0  }
0xb4: {  	[sflag:s7] =	ssyncadd.s32 $0xFFFFE000  }
0xb5: {  	s30 =	sadd.s32 s31, s2;
	s31 =	simm.s32 $0x11  }
0xb6: {  	[hbm:s30], [sflag:s31] =	dma.local [spmem:s4], $0x2000  }
0xb7: {  	_ =	swait.ge [sflag:s9], $0x2000  }
0xb8: {  	[sflag:s9] =	ssyncset.done $0x0  }
0xb9: {  	[sflag:s9] =	ssyncadd.s32 $0xFFFFE000  }
0xba: {  	s7 =	sadd.s32 s6, s2;
	s9 =	simm.s32 $0x12  }
0xbb: {  	[hbm:s7], [sflag:s9] =	dma.local [spmem:s10], $0x2000  }
0xbc: {  	_ =	swait.ge [sflag:s12], $0x2000  }
0xbd: {  	[sflag:s12] =	ssyncset.done $0x0  }
0xbe: {  	[sflag:s12] =	ssyncadd.s32 $0xFFFFE000  }
0xbf: {  	s10 =	sadd.s32 s8, s2;
	s12 =	simm.s32 $0x13  }
0xc0: {  	[hbm:s10], [sflag:s12] =	dma.local [spmem:s13], $0x2000  }
0xc1: {  	_ =	swait.ge [sflag:s15], $0x2000  }
0xc2: {  	[sflag:s15] =	ssyncset.done $0x0  }
0xc3: {  	[sflag:s15] =	ssyncadd.s32 $0xFFFFE000  }
0xc4: {  	s13 =	sadd.s32 s11, s2;
	s15 =	simm.s32 $0x14  }
0xc5: {  	[hbm:s13], [sflag:s15] =	dma.local [spmem:s16], $0x2000  }
0xc6: {  	_ =	swait.ge [sflag:s18], $0x2000  }
0xc7: {  	[sflag:s18] =	ssyncset.done $0x0  }
0xc8: {  	[sflag:s18] =	ssyncadd.s32 $0xFFFFE000  }
0xc9: {  	s16 =	sadd.s32 s14, s2;
	s18 =	simm.s32 $0x15  }
0xca: {  	[hbm:s16], [sflag:s18] =	dma.local [spmem:s19], $0x2000  }
0xcb: {  	_ =	swait.ge [sflag:s21], $0x2000  }
0xcc: {  	[sflag:s21] =	ssyncset.done $0x0  }
0xcd: {  	[sflag:s21] =	ssyncadd.s32 $0xFFFFE000  }
0xce: {  	s19 =	sadd.s32 s17, s2;
	s21 =	simm.s32 $0x16  }
0xcf: {  	[hbm:s19], [sflag:s21] =	dma.local [spmem:s22], $0x2000  }
0xd0: {  	_ =	swait.ge [sflag:s24], $0x2000  }
0xd1: {  	[sflag:s24] =	ssyncset.done $0x0  }
0xd2: {  	[sflag:s24] =	ssyncadd.s32 $0xFFFFE000  }
0xd3: {  	s22 =	sadd.s32 s20, s2;
	s24 =	simm.s32 $0x17  }
0xd4: {  	[hbm:s22], [sflag:s24] =	dma.local [spmem:s25], $0x2000  }
0xd5: {  	_ =	swait.ge [sflag:s26], $0x2000  }
0xd6: {  	[sflag:s26] =	ssyncset.done $0x0  }
0xd7: {  	[sflag:s26] =	ssyncadd.s32 $0xFFFFE000  }
0xd8: {  	s2 =	sadd.s32 s29, s2;
	s26 =	simm.s32 $0x18  }
0xd9: {  	[hbm:s2], [sflag:s26] =	dma.local [spmem:s28], $0x2000  }
0xda: {  	_ =	swait.ge [sflag:s31], $0x2000  }
0xdb: {  	[sflag:s31] =	ssyncset.done $0x0  }
0xdc: {  	[sflag:s31] =	ssyncadd.s32 $0xFFFFE000;
	_ =	sdelay $0x2  }
0xdd: {  	_ =	swait.ge [sflag:s9], $0x2000  }
0xde: {  	[sflag:s9] =	ssyncset.done $0x0  }
0xdf: {  	[sflag:s9] =	ssyncadd.s32 $0xFFFFE000;
	_ =	sdelay $0x2  }
0xe0: {  	_ =	swait.ge [sflag:s12], $0x2000  }
0xe1: {  	[sflag:s12] =	ssyncset.done $0x0  }
0xe2: {  	[sflag:s12] =	ssyncadd.s32 $0xFFFFE000;
	_ =	sdelay $0x2  }
0xe3: {  	_ =	swait.ge [sflag:s15], $0x2000  }
0xe4: {  	[sflag:s15] =	ssyncset.done $0x0  }
0xe5: {  	[sflag:s15] =	ssyncadd.s32 $0xFFFFE000;
	_ =	sdelay $0x2  }
0xe6: {  	_ =	swait.ge [sflag:s18], $0x2000  }
0xe7: {  	[sflag:s18] =	ssyncset.done $0x0  }
0xe8: {  	[sflag:s18] =	ssyncadd.s32 $0xFFFFE000;
	_ =	sdelay $0x2  }
0xe9: {  	_ =	swait.ge [sflag:s21], $0x2000  }
0xea: {  	[sflag:s21] =	ssyncset.done $0x0  }
0xeb: {  	[sflag:s21] =	ssyncadd.s32 $0xFFFFE000;
	_ =	sdelay $0x2  }
0xec: {  	_ =	swait.ge [sflag:s24], $0x2000  }
0xed: {  	[sflag:s24] =	ssyncset.done $0x0  }
0xee: {  	[sflag:s24] =	ssyncadd.s32 $0xFFFFE000;
	_ =	sdelay $0x2  }
0xef: {  	_ =	swait.ge [sflag:s26], $0x2000  }
0xf0: {  	[sflag:s26] =	ssyncset.done $0x0  }
0xf1: {  	[sflag:s26] =	ssyncadd.s32 $0xFFFFE000  }
0xf2: {  	_ =	strace $0x90000046  }
0xf3: {  	_ =	sfence  }
0xf4: {  	s29 =	sld [smem:$0x0];
	_ =	sdelay $0x2  }
0xf5: {  	s30 =	sshll.u32 s1, $0xD;
	s1 =	sshrl.u32 s1, $0x2  }
0xf6: {  	s31 =	sand.u32 $0x4000, s30;
	s1 =	sadd.s32 s1, s29  }
0xf7: {  	s0 =	sor.u32 s31, s0;
	s1 =	sshll.u32 s1, $0x11  }
0xf8: {  	s0 =	sor.u32 s1, s0  }
0xf9: {  	s0 =	sadd.s32 $0x8F2B, s0;
	(pc) =	sbr.abs _section_cstart, $3  }
0xfa: {  	[sflag:s0] =	ssyncadd.remote.s32 $0x1  }
0xfb: {  	_ =	strace $0x9FFFFFFF  }
0xfc: {  	(tm) =	ssettm $0x7FFFFFFF  }
0xfd: {  	_ =	shalt  }

</sc_bundles>
